<compile_context>
chip_gen: v7x
topology: tpu7x:2x2x1
jax: 0.10.2.dev20260603
libtpu: 0.0.44.dev20260713+nightly
codegen_flags: <defaults>
</compile_context>

<pallas_src>
import functools

import jax
import jax.numpy as jnp
from jax import lax
from jax.experimental import pallas as pl
from jax.experimental.pallas import tpu as pltpu
from jax.experimental.pallas import tpu_sc as plsc

_NC = 2
_NS = 16
_IDS_PER_WORKER = 8


def _sc_gather(table, ids):
  b, c = ids.shape
  d = table.shape[1]
  per_row = c // _IDS_PER_WORKER
  mesh = plsc.VectorSubcoreMesh(
      core_axis_name="c", subcore_axis_name="s",
      num_cores=1, num_subcores=_NS)

  @functools.partial(
      pl.kernel,
      out_type=jax.ShapeDtypeStruct((b, c, d), jnp.float32),
      mesh=mesh,
      scratch_types=[
          pltpu.VMEM((_IDS_PER_WORKER,), jnp.int32),
          pltpu.VMEM((_IDS_PER_WORKER, d), jnp.float32),
          pltpu.SemaphoreType.DMA,
      ],
  )
  def gather_kernel(table_hbm, ids_hbm, out_hbm, idx_v, rows_v, sem):
    wid = lax.axis_index("s")
    row = wid // per_row
    col = (wid % per_row) * _IDS_PER_WORKER
    pltpu.sync_copy(ids_hbm.at[row, pl.ds(col, _IDS_PER_WORKER)], idx_v)
    pltpu.async_copy(table_hbm.at[idx_v], rows_v, sem).wait()
    pltpu.sync_copy(rows_v, out_hbm.at[row, pl.ds(col, _IDS_PER_WORKER)])

  return gather_kernel(table, ids)


_C_TILE = 4


def _add_body(x_ref, pe_ref, cp_ref, o_ref):
  bi = pl.program_id(0)
  i = pl.program_id(1)
  rows = cp_ref[pl.ds(bi, 1), pl.ds(i * _C_TILE, _C_TILE), :]
  o_ref[...] = (x_ref[...] + pe_ref[...][None, None]
                + rows[:, :, None, :])


def kernel(x, channel_ids, pe_temporal, channel_table):
  b, c, t, d = x.shape
  cp = _sc_gather(channel_table, channel_ids.astype(jnp.int32))
  return pl.pallas_call(
      _add_body,
      grid=(b, c // _C_TILE),
      in_specs=[
          pl.BlockSpec((1, _C_TILE, t, d), lambda bi, i: (bi, i, 0, 0)),
          pl.BlockSpec((t, d), lambda bi, i: (0, 0)),
          pl.BlockSpec((b, c, d), lambda bi, i: (0, 0, 0)),
      ],
      out_specs=pl.BlockSpec((1, _C_TILE, t, d), lambda bi, i: (bi, i, 0, 0)),
      out_shape=jax.ShapeDtypeStruct((b, c, t, d), jnp.float32),
  )(x, pe_temporal, cp)

# --- scband reference (transcript-rebuilt; emitter-appended) ---
"""Pipeline reference for scband-positional-encoder-65017214927378 (READ-ONLY COPY).

The authoritative reference and input builder live on the scoring server;
editing this copy changes nothing except your own understanding.
"""

import jax, jax.numpy as jnp
import numpy as np

D_MODEL = 128
MAX_LEN = 5000
N_CHANNELS = 64
B, C, T = 2, 64, 2048


def _make_pe_temporal():
    position = np.arange(MAX_LEN, dtype=np.float32)[:, None]
    div_term = np.exp(np.arange(0, D_MODEL, 2, dtype=np.float32) * (-np.log(10000.0) / D_MODEL))
    pe = np.zeros((MAX_LEN, D_MODEL), dtype=np.float32)
    pe[:, 0::2] = np.sin(position * div_term)
    pe[:, 1::2] = np.cos(position * div_term)
    return jnp.asarray(pe)  # [max_len, d_model]


def setup_inputs(seed: int = 0) -> dict:
    key = jax.random.key(seed)
    k1, k2, k3 = jax.random.split(key, 3)
    x = jax.random.normal(k1, (B, C, T, D_MODEL), dtype=jnp.float32)
    channel_ids = jax.random.randint(k2, (B, C), 0, N_CHANNELS, dtype=jnp.int64)
    pe_temporal = _make_pe_temporal()
    channel_table = jax.random.normal(k3, (N_CHANNELS, D_MODEL), dtype=jnp.float32) * 0.02
    return {"x": x, "channel_ids": channel_ids, "pe_temporal": pe_temporal, "channel_table": channel_table}


def reference(x, channel_ids, pe_temporal, channel_table):
    # x: [B, C, T, D]; channel_ids: [B, C]
    t = x.shape[2]
    # temporal sinusoidal PE: [1, 1, T, D]
    x = x + pe_temporal[:t][None, None, :, :]
    # channel embedding lookup: [B, C, D] -> [B, C, 1, D]
    channel_pos = jnp.take(channel_table, channel_ids, axis=0)
    x = x + channel_pos[:, :, None, :]
    return x

if __name__ == "__main__":
    import jax
    _d = setup_inputs()
    print(jax.jit(kernel)(*tuple(_d.values())))

</pallas_src>

<mosaic_0001>
#map = affine_map<(d0, d1) -> (0, 0)>
#map1 = affine_map<(d0, d1) -> (0, 0, 0)>
module attributes {stable_mosaic.version = 14 : i64} {
  func.func @gather_kernel(%arg0: i32, %arg1: i32, %arg2: memref<64x128xf32, #tpu.memory_space<hbm>>, %arg3: memref<2x64xi32, #tpu.memory_space<hbm>>, %arg4: memref<2x64x128xf32, #tpu.memory_space<hbm>>, %arg5: memref<8xi32, #tpu.memory_space<vmem>>, %arg6: memref<8x128xf32, #tpu.memory_space<vmem>>, %arg7: memref<!tpu.dma_semaphore, #tpu.memory_space<semaphore_mem>>) attributes {dimension_semantics = [#tpu.dimension_semantics<core_parallel>, #tpu.dimension_semantics<subcore_parallel>], iteration_bounds = array<i64: 1, 16>, scalar_prefetch = 0 : i64, scratch_operands = 3 : i64, tpu.core_type = #tpu.core_type<sc_vector_subcore>, window_params = [{transform_indices = #map}, {transform_indices = #map}, {transform_indices = #map1}]} {
    %jit3A = arith.constant 8 : i32
    %div3A = arith.divsi %arg1, %jit3A : i32
    %sign3A = arith.constant 0 : i32
    %sign3A_0 = arith.cmpi sgt, %arg1, %sign3A : i32
    %sign3A_1 = arith.extui %sign3A_0 : i1 to i32
    %sign3A_2 = arith.constant 0 : i32
    %sign3A_3 = arith.cmpi slt, %arg1, %sign3A_2 : i32
    %sign3A_4 = arith.extui %sign3A_3 : i1 to i32
    %sign3A_5 = arith.subi %sign3A_1, %sign3A_4 : i32
    %sign3A_6 = arith.constant 0 : i32
    %sign3A_7 = arith.cmpi sgt, %jit3A, %sign3A_6 : i32
    %sign3A_8 = arith.extui %sign3A_7 : i1 to i32
    %sign3A_9 = arith.constant 0 : i32
    %sign3A_10 = arith.cmpi slt, %jit3A, %sign3A_9 : i32
    %sign3A_11 = arith.extui %sign3A_10 : i1 to i32
    %sign3A_12 = arith.subi %sign3A_8, %sign3A_11 : i32
    %ne3A = arith.cmpi ne, %sign3A_5, %sign3A_12 : i32
    %rem3A = arith.remsi %arg1, %jit3A : i32
    %ne3A_13 = arith.constant 0 : i32
    %ne3A_14 = arith.cmpi ne, %rem3A, %ne3A_13 : i32
    %and3A = arith.andi %ne3A, %ne3A_14 : i1
    %sub3A = arith.constant 1 : i32
    %sub3A_15 = arith.subi %div3A, %sub3A : i32
    %select_n3A = arith.select %and3A, %sub3A_15, %div3A : i32
    %jit3A_16 = arith.constant 8 : i32
    %eq3A = arith.constant 0 : i32
    %eq3A_17 = arith.cmpi eq, %jit3A_16, %eq3A : i32
    %jit3A_18 = arith.constant 1 : i32
    %select_n3A_19 = arith.select %eq3A_17, %jit3A_18, %jit3A_16 : i32
    %rem3A_20 = arith.remsi %arg1, %select_n3A_19 : i32
    %ne3A_21 = arith.constant 0 : i32
    %ne3A_22 = arith.cmpi ne, %rem3A_20, %ne3A_21 : i32
    %lt3A = arith.constant 0 : i32
    %lt3A_23 = arith.cmpi slt, %rem3A_20, %lt3A : i32
    %lt3A_24 = arith.constant 0 : i32
    %lt3A_25 = arith.cmpi slt, %select_n3A_19, %lt3A_24 : i32
    %ne3A_26 = arith.xori %lt3A_23, %lt3A_25 : i1
    %and3A_27 = arith.andi %ne3A_26, %ne3A_22 : i1
    %add3A = arith.addi %rem3A_20, %select_n3A_19 : i32
    %select_n3A_28 = arith.select %and3A_27, %add3A, %rem3A_20 : i32
    %mul3A = arith.constant 8 : i32
    %mul3A_29 = arith.muli %select_n3A_28, %mul3A : i32
    "tpu.region"() ({
      %run_scoped3A = tpu.sem_alloc : memref<!tpu.dma_semaphore, #tpu.memory_space<semaphore_mem>>
      %dma_start3A_34 = tpu.memref_slice %arg3[%select_n3A, %mul3A_29] : memref<2x64xi32, #tpu.memory_space<hbm>> -> memref<1x8xi32, #tpu.memory_space<hbm>>
      %dma_start3A_35 = tpu.memref_squeeze %dma_start3A_34 : memref<1x8xi32, #tpu.memory_space<hbm>> -> memref<8xi32, #tpu.memory_space<hbm>>
      %dma_start3A_36 = tpu.memref_slice %arg3[%select_n3A, %mul3A_29] : memref<2x64xi32, #tpu.memory_space<hbm>> -> memref<1x8xi32, #tpu.memory_space<hbm>>
      %dma_start3A_37 = tpu.memref_squeeze %dma_start3A_36 : memref<1x8xi32, #tpu.memory_space<hbm>> -> memref<8xi32, #tpu.memory_space<hbm>>
      tpu.enqueue_dma source(%dma_start3A_37 : memref<8xi32, #tpu.memory_space<hbm>>) target(%arg5 : memref<8xi32, #tpu.memory_space<vmem>>) target_semaphore(%run_scoped3A : memref<!tpu.dma_semaphore, #tpu.memory_space<semaphore_mem>>)
      %dma_wait3A_38 = tpu.memref_slice %arg3[%select_n3A, %mul3A_29] : memref<2x64xi32, #tpu.memory_space<hbm>> -> memref<1x8xi32, #tpu.memory_space<hbm>>
      %dma_wait3A_39 = tpu.memref_squeeze %dma_wait3A_38 : memref<1x8xi32, #tpu.memory_space<hbm>> -> memref<8xi32, #tpu.memory_space<hbm>>
      %dma_wait3A_40 = tpu.memref_slice %arg3[%select_n3A, %mul3A_29] : memref<2x64xi32, #tpu.memory_space<hbm>> -> memref<1x8xi32, #tpu.memory_space<hbm>>
      %dma_wait3A_41 = tpu.memref_squeeze %dma_wait3A_40 : memref<1x8xi32, #tpu.memory_space<hbm>> -> memref<8xi32, #tpu.memory_space<hbm>>
      tpu.wait_dma2 semaphore(%run_scoped3A : memref<!tpu.dma_semaphore, #tpu.memory_space<semaphore_mem>>) src(%dma_wait3A_41 : memref<8xi32, #tpu.memory_space<hbm>>) dst(%arg5 : memref<8xi32, #tpu.memory_space<vmem>>)
      tpu.yield
    }) : () -> ()
    %dma_start3A = arith.constant 0 : i32
    %dma_start3A_30 = arith.constant 0 : i32
    %dma_start3A_31 = tpu.memref_slice %arg2[%dma_start3A, %dma_start3A_30] : memref<64x128xf32, #tpu.memory_space<hbm>> -> memref<64x128xf32, #tpu.memory_space<hbm>>
    tpu.enqueue_indirect_dma source(%dma_start3A_31 : memref<64x128xf32, #tpu.memory_space<hbm>>) target(%arg6 : memref<8x128xf32, #tpu.memory_space<vmem>>) offsets(%arg5 : memref<8xi32, #tpu.memory_space<vmem>>) semaphore(%arg7 : memref<!tpu.dma_semaphore, #tpu.memory_space<semaphore_mem>>)
    %dma_wait3A = arith.constant 0 : i32
    %dma_wait3A_32 = arith.constant 0 : i32
    %dma_wait3A_33 = tpu.memref_slice %arg2[%dma_wait3A, %dma_wait3A_32] : memref<64x128xf32, #tpu.memory_space<hbm>> -> memref<64x128xf32, #tpu.memory_space<hbm>>
    tpu.wait_indirect_dma semaphore(%arg7 : memref<!tpu.dma_semaphore, #tpu.memory_space<semaphore_mem>>) src(%dma_wait3A_33 : memref<64x128xf32, #tpu.memory_space<hbm>>) dst(%arg6 : memref<8x128xf32, #tpu.memory_space<vmem>>)
    "tpu.region"() ({
      %run_scoped3A = tpu.sem_alloc : memref<!tpu.dma_semaphore, #tpu.memory_space<semaphore_mem>>
      %dma_start3A_34 = arith.constant 0 : i32
      %dma_start3A_35 = tpu.memref_slice %arg4[%select_n3A, %mul3A_29, %dma_start3A_34] : memref<2x64x128xf32, #tpu.memory_space<hbm>> -> memref<1x8x128xf32, #tpu.memory_space<hbm>>
      %dma_start3A_36 = tpu.memref_squeeze %dma_start3A_35 : memref<1x8x128xf32, #tpu.memory_space<hbm>> -> memref<8x128xf32, #tpu.memory_space<hbm>>
      %dma_start3A_37 = arith.constant 0 : i32
      %dma_start3A_38 = tpu.memref_slice %arg4[%select_n3A, %mul3A_29, %dma_start3A_37] : memref<2x64x128xf32, #tpu.memory_space<hbm>> -> memref<1x8x128xf32, #tpu.memory_space<hbm>>
      %dma_start3A_39 = tpu.memref_squeeze %dma_start3A_38 : memref<1x8x128xf32, #tpu.memory_space<hbm>> -> memref<8x128xf32, #tpu.memory_space<hbm>>
      tpu.enqueue_dma source(%arg6 : memref<8x128xf32, #tpu.memory_space<vmem>>) target(%dma_start3A_39 : memref<8x128xf32, #tpu.memory_space<hbm>>) target_semaphore(%run_scoped3A : memref<!tpu.dma_semaphore, #tpu.memory_space<semaphore_mem>>)
      %dma_wait3A_40 = arith.constant 0 : i32
      %dma_wait3A_41 = tpu.memref_slice %arg4[%select_n3A, %mul3A_29, %dma_wait3A_40] : memref<2x64x128xf32, #tpu.memory_space<hbm>> -> memref<1x8x128xf32, #tpu.memory_space<hbm>>
      %dma_wait3A_42 = tpu.memref_squeeze %dma_wait3A_41 : memref<1x8x128xf32, #tpu.memory_space<hbm>> -> memref<8x128xf32, #tpu.memory_space<hbm>>
      %dma_wait3A_43 = arith.constant 0 : i32
      %dma_wait3A_44 = tpu.memref_slice %arg4[%select_n3A, %mul3A_29, %dma_wait3A_43] : memref<2x64x128xf32, #tpu.memory_space<hbm>> -> memref<1x8x128xf32, #tpu.memory_space<hbm>>
      %dma_wait3A_45 = tpu.memref_squeeze %dma_wait3A_44 : memref<1x8x128xf32, #tpu.memory_space<hbm>> -> memref<8x128xf32, #tpu.memory_space<hbm>>
      tpu.wait_dma2 semaphore(%run_scoped3A : memref<!tpu.dma_semaphore, #tpu.memory_space<semaphore_mem>>) src(%arg6 : memref<8x128xf32, #tpu.memory_space<vmem>>) dst(%dma_wait3A_45 : memref<8x128xf32, #tpu.memory_space<hbm>>)
      tpu.yield
    }) : () -> ()
    return
  }
}

module attributes {stable_mosaic.version = 14 : i64} {
  func.func @_add_body(%arg0: i32, %arg1: i32, %arg2: memref<1x4x2048x128xf32, #tpu.memory_space<vmem>>, %arg3: memref<2048x128xf32, #tpu.memory_space<vmem>>, %arg4: memref<2x64x128xf32, #tpu.memory_space<vmem>>, %arg5: memref<1x4x2048x128xf32, #tpu.memory_space<vmem>>) attributes {dimension_semantics = [#tpu.dimension_semantics<arbitrary>, #tpu.dimension_semantics<arbitrary>], iteration_bounds = array<i64: 2, 16>, scalar_prefetch = 0 : i64, scratch_operands = 0 : i64, tpu.core_type = #tpu.core_type<tc>, window_params = [{transform_indices = @transform_0, window_bounds = array<i64: 1, 4, 2048, 128>}, {transform_indices = @transform_1, window_bounds = array<i64: 2048, 128>}, {pipeline_mode = #tpu.pipeline_mode<synchronous>, transform_indices = @transform_2, window_bounds = array<i64: 2, 64, 128>}, {transform_indices = @transform_3, window_bounds = array<i64: 1, 4, 2048, 128>}]} {
    %mul3A = arith.constant 4 : i32
    %mul3A_0 = arith.muli %arg1, %mul3A : i32
    %get3A = arith.index_cast %arg0 : i32 to index
    %get3A_1 = arith.index_cast %mul3A_0 : i32 to index
    %get3A_2 = arith.constant 0 : index
    %get3A_3 = vector.load %arg4[%get3A, %get3A_1, %get3A_2] : memref<2x64x128xf32, #tpu.memory_space<vmem>>, vector<1x4x128xf32>
    %get3A_4 = arith.constant 0 : index
    %get3A_5 = arith.constant 0 : index
    %get3A_6 = arith.constant 0 : index
    %get3A_7 = arith.constant 0 : index
    %get3A_8 = vector.load %arg2[%get3A_4, %get3A_5, %get3A_6, %get3A_7] : memref<1x4x2048x128xf32, #tpu.memory_space<vmem>>, vector<1x4x2048x128xf32>
    %get3A_9 = arith.constant 0 : index
    %get3A_10 = arith.constant 0 : index
    %get3A_11 = vector.load %arg3[%get3A_9, %get3A_10] : memref<2048x128xf32, #tpu.memory_space<vmem>>, vector<2048x128xf32>
    %broadcast_in_dim3A = vector.shape_cast %get3A_11 : vector<2048x128xf32> to vector<1x1x2048x128xf32>
    %add3A = vector.broadcast %broadcast_in_dim3A : vector<1x1x2048x128xf32> to vector<1x4x2048x128xf32>
    %add3A_12 = arith.addf %get3A_8, %add3A : vector<1x4x2048x128xf32>
    %broadcast_in_dim3A_13 = vector.shape_cast %get3A_3 : vector<1x4x128xf32> to vector<1x4x1x128xf32>
    %add3A_14 = vector.broadcast %broadcast_in_dim3A_13 : vector<1x4x1x128xf32> to vector<1x4x2048x128xf32>
    %add3A_15 = arith.addf %add3A_12, %add3A_14 : vector<1x4x2048x128xf32>
    %swap3A = arith.constant 0 : index
    %swap3A_16 = arith.constant 0 : index
    %swap3A_17 = arith.constant 0 : index
    %swap3A_18 = arith.constant 0 : index
    %swap3A_19 = vector.load %arg5[%swap3A, %swap3A_16, %swap3A_17, %swap3A_18] : memref<1x4x2048x128xf32, #tpu.memory_space<vmem>>, vector<1x4x2048x128xf32>
    tpu.vector_store %arg5[%swap3A, %swap3A_16, %swap3A_17, %swap3A_18], %add3A_15 {strides = array<i32>} : memref<1x4x2048x128xf32, #tpu.memory_space<vmem>>, vector<1x4x2048x128xf32>,
    return
  }
  func.func @transform_0(%arg0: i32, %arg1: i32) -> (i32, i32, i32, i32) {
    %c0_i32 = arith.constant 0 : i32
    %c0_i32_0 = arith.constant 0 : i32
    %c0_i32_1 = arith.constant 0 : i32
    return %arg0, %arg1, %c0_i32, %c0_i32_0 : i32, i32, i32, i32
  }
  func.func @transform_1(%arg0: i32, %arg1: i32) -> (i32, i32) {
    %c0_i32 = arith.constant 0 : i32
    %c0_i32_0 = arith.constant 0 : i32
    %c0_i32_1 = arith.constant 0 : i32
    return %c0_i32, %c0_i32_0 : i32, i32
  }
  func.func @transform_2(%arg0: i32, %arg1: i32) -> (i32, i32, i32) {
    %c0_i32 = arith.constant 0 : i32
    %c0_i32_0 = arith.constant 0 : i32
    %c0_i32_1 = arith.constant 0 : i32
    %c0_i32_2 = arith.constant 0 : i32
    return %c0_i32, %c0_i32_0, %c0_i32_1 : i32, i32, i32
  }
  func.func @transform_3(%arg0: i32, %arg1: i32) -> (i32, i32, i32, i32) {
    %c0_i32 = arith.constant 0 : i32
    %c0_i32_0 = arith.constant 0 : i32
    %c0_i32_1 = arith.constant 0 : i32
    return %arg0, %arg1, %c0_i32, %c0_i32_0 : i32, i32, i32, i32
  }
}

</mosaic_0001>

<sc_bundles>
// kernel: kernel.4.cloned.1.call-start
scs
__scs_entry_jumppad:
0x0: {  	(pc) =	sbr.rel $0x88, $3  }
0x1: {  	(tag) =	ssettag $0x0;
	lr =	simm.s32 $0x1  }
0x2: {  	[smem:$0x3F9D] =	sst lr;
	_ =	strace $0xD0000000  }
0x3: {  	_ = 	snop  }
0x4: {  	_ = 	snop  }
0x5: {  	_ = 	snop  }
0x6: {  	_ = 	snop  }
0x7: {  	_ = 	snop  }
__scs_overlays_trampoline_lowered:
0x8: {  	[smem:$0x3FAC] =	sst s0  }
0x9: {  	[smem:$0x3FAD] =	sst s1  }
0xa: {  	[smem:$0x3FAE] =	sst s2  }
0xb: {  	[smem:$0x3FAF] =	sst s3  }
0xc: {  	[smem:$0x3FB0] =	sst s4  }
0xd: {  	[smem:$0x3FB1] =	sst s5  }
0xe: {  	[smem:$0x3FB2] =	sst s6  }
0xf: {  	[smem:$0x3FB3] =	sst s7  }
0x10: {  	[smem:$0x3FB4] =	sst s8  }
0x11: {  	[smem:$0x3FB5] =	sst s9;
	s0 =	simm.s32 @!p0 $0x0  }
0x12: {  	s1 =	sld [smem:$0x3F9B];
	s0 =	simm.s32 @p0 $0x1  }
0x13: {  	[smem:$0x3FB6] =	sst s0;
	s0 =	simm.s32 @!p1 $0x0  }
0x14: {  	s2 =	sld [smem:$0x3F9A];
	s0 =	simm.s32 @p1 $0x1  }
0x15: {  	[smem:$0x3FB7] =	sst s0;
	s0 =	simm.s32 @!p2 $0x0  }
0x16: {  	s3 =	sld [smem:$0x3FDB];
	s0 =	simm.s32 @p2 $0x1  }
0x17: {  	s4 =	simm.s32 $0x1BF5;
	[smem:$0x3FB9] =	sst s0  }
0x18: {  	s0 =	sld [smem:$0x3F9C];
	_ =	swait.ge [sflag:s4], $0x0  }
0x19: {  	s7 =	sld [smem:$0x3F9D]  }
0x1a: {  	s8 =	sadd.s32 $0xFFFFE003, lr  }
0x1b: {  	s9 =	sadd.s32 $0xFFFFFEF7, lr;
	s5 =	simm.s32 $0xFFFFFFFF;
	p2 =	slt.u32 s8, $0xFFFFF086  }
0x1c: {  	p1 =	slt.u32 s9, $0xF7A;
	s5 =	simm.s32 @!p2 $0x0  }
0x1d: {  	s5 =	simm.s32 @p1 $0x1;
	p0 =	seq.s32 s7, s2  }
0x1e: {  	s7 =	smul.u32 @!p0 $0xF7A, s2;
	p2 =	seq.s32 @!p0 s5, $0x0  }
0x1f: {  	s9 =	smul.u32 $0xF7A, s1;
	s8 =	simm.s32 @!p0 $0x1BF5;
	p2 =	por !p2, p0  }
0x20: {  	[sflag:s8] =	ssyncset.s32 @!p0 $0xFFFFF086;
	s6 =	sadd.s32 @!p0 s3, s7;
	s7 =	simm.s32 @!p0 $0x108  }
0x21: {  	s3 =	sadd.s32 s3, s9;
	s6 =	sadd.s32 @!p0 $0x88, s6;
	s7 =	simm.s32 @p2 $0x1082  }
0x22: {  	[simem:s7], [sflag:s8] =	dma.local @!p0 [hbm:s6], $0xF7A  }
0x23: {  	s9 =	sor.u32 $0xD0000000, s2;
	s6 =	simm.s32 $0x108;
	_ =	swait.ge @!p0 [sflag:s8], $0x0  }
0x24: {  	s3 =	sadd.s32 $0x88, s3;
	s6 =	simm.s32 @!p1 $0x1082;
	[sflag:s4] =	ssyncset.s32 $0xFFFFF086  }
0x25: {  	[simem:s6], [sflag:s4] =	dma.local [hbm:s3], $0xF7A  }
0x26: {  	[smem:$0x3F9D] =	sst s1;
	(tag) =	ssettag s2;
	_ =	strace s9  }
0x27: {  	s1 =	sld [smem:$0x3FAD]  }
0x28: {  	s2 =	sld [smem:$0x3FAE]  }
0x29: {  	s4 =	sld [smem:$0x3FB0]  }
0x2a: {  	p0 =	seq.s32 s5, $0x0;
	s5 =	sld [smem:$0x3FB1]  }
0x2b: {  	s6 =	sld [smem:$0x3FB2]  }
0x2c: {  	s7 =	sld [smem:$0x3FB3]  }
0x2d: {  	s3 =	simm.s32 $0x108;
	s8 =	sld [smem:$0x3FB4]  }
0x2e: {  	s3 =	simm.s32 @!p0 $0x1082;
	s9 =	sld [smem:$0x3FB5]  }
0x2f: {  	lr =	sadd.s32 s0, s3;
	s0 =	sld [smem:$0x3FAC]  }
0x30: {  	s3 =	sld [smem:$0x3FAF]  }
0x31: {  	[smem:$0x3FB8] =	sst s10  }
0x32: {  	s10 =	sld [smem:$0x3FB6];
	_ =	sdelay $0x3  }
0x33: {  	p0 =	seq.s32 s10, $0x1;
	s10 =	sld [smem:$0x3FB8];
	_ =	sdelay $0x3  }
0x34: {  	[smem:$0x3FB8] =	sst s10  }
0x35: {  	s10 =	sld [smem:$0x3FB7];
	_ =	sdelay $0x3  }
0x36: {  	p1 =	seq.s32 s10, $0x1;
	s10 =	sld [smem:$0x3FB8];
	_ =	sdelay $0x3  }
0x37: {  	[smem:$0x3FB8] =	sst s10  }
0x38: {  	s10 =	sld [smem:$0x3FB9]  }
0x39: {  	_ = 	snop;
	(pc) =	sbr.ind lr, $3  }
0x3a: {  	_ = 	snop  }
0x3b: {  	_ = 	snop  }
0x3c: {  	p2 =	seq.s32 s10, $0x1;
	s10 =	sld [smem:$0x3FB8]  }
0x3d: {  	_ =	shalt  }
0x3e: {  	_ =	shalt  }
0x3f: {  	_ =	shalt  }
0x40: {  	_ =	shalt  }
0x41: {  	_ =	shalt  }
0x42: {  	_ =	shalt  }
0x43: {  	_ =	shalt  }
0x44: {  	_ =	shalt  }
0x45: {  	_ =	shalt  }
0x46: {  	_ =	shalt  }
0x47: {  	_ =	shalt  }
0x48: {  	_ =	shalt  }
0x49: {  	_ =	shalt  }
0x4a: {  	_ =	shalt  }
0x4b: {  	_ =	shalt  }
0x4c: {  	_ =	shalt  }
0x4d: {  	_ =	shalt  }
0x4e: {  	_ =	shalt  }
0x4f: {  	_ =	shalt  }
0x50: {  	_ =	shalt  }
0x51: {  	_ =	shalt  }
0x52: {  	_ =	shalt  }
0x53: {  	_ =	shalt  }
0x54: {  	_ =	shalt  }
0x55: {  	_ =	shalt  }
0x56: {  	_ =	shalt  }
0x57: {  	_ =	shalt  }
0x58: {  	_ =	shalt  }
0x59: {  	_ =	shalt  }
0x5a: {  	_ =	shalt  }
0x5b: {  	_ =	shalt  }
0x5c: {  	_ =	shalt  }
0x5d: {  	_ =	shalt  }
0x5e: {  	_ =	shalt  }
0x5f: {  	_ =	shalt  }
0x60: {  	_ =	shalt  }
0x61: {  	_ =	shalt  }
0x62: {  	_ =	shalt  }
0x63: {  	_ =	shalt  }
0x64: {  	_ =	shalt  }
0x65: {  	_ =	shalt  }
0x66: {  	_ =	shalt  }
0x67: {  	_ =	shalt  }
0x68: {  	_ =	shalt  }
0x69: {  	_ =	shalt  }
0x6a: {  	_ =	shalt  }
0x6b: {  	_ =	shalt  }
0x6c: {  	_ =	shalt  }
0x6d: {  	_ =	shalt  }
0x6e: {  	_ =	shalt  }
0x6f: {  	_ =	shalt  }
0x70: {  	_ =	shalt  }
0x71: {  	_ =	shalt  }
0x72: {  	_ =	shalt  }
0x73: {  	_ =	shalt  }
0x74: {  	_ =	shalt  }
0x75: {  	_ =	shalt  }
0x76: {  	_ =	shalt  }
0x77: {  	_ =	shalt  }
0x78: {  	_ =	shalt  }
0x79: {  	_ =	shalt  }
0x7a: {  	_ =	shalt  }
0x7b: {  	_ =	shalt  }
0x7c: {  	_ =	shalt  }
0x7d: {  	_ =	shalt  }
0x7e: {  	_ =	shalt  }
0x7f: {  	_ =	shalt  }
0x80: {  	_ =	shalt  }
0x81: {  	_ =	shalt  }
0x82: {  	_ =	shalt  }
0x83: {  	_ =	shalt  }
0x84: {  	_ =	shalt  }
0x85: {  	_ =	shalt  }
0x86: {  	_ =	shalt  }
0x87: {  	_ =	shalt  }
.Lfunc_end0:
.L_simem_size_0:
called_computation_lowered:
.L_overlay_start_0:
0x88: {  	s0 =	sld [smem:$0x3FD9]  }
0x89: {  	s1 =	sld [smem:$0x3FFE];
	_ =	sdelay $0x3  }
0x8a: {  	s0 =	sadd.s32 s1, s0  }
0x8b: {  	[smem:$0x3FC4] =	sst s0  }
0x8c: {  	_ = 	snop  }
0x8d: {  	s0 =	sld [smem:$0x3FC8]  }
0x8e: {  	s17 =	sld [smem:$0x3FC6]  }
0x8f: {  	s2 =	sld [smem:$0x3FD0];
	(tm) =	ssettm $0x1  }
0x90: {  	s3 =	sld [smem:$0x3FFB];
	_ =	sdelay $0x3  }
0x91: {  	_ =	strace s3  }
0x92: {  	s3 =	sld [smem:$0x3FFC];
	_ =	sdelay $0x3  }
0x93: {  	_ =	strace s3  }
0x94: {  	s3 =	sld [smem:$0x3FFD];
	_ =	sdelay $0x3  }
0x95: {  	_ =	strace s3  }
0x96: {  	_ =	strace $0x8FFFFFFF  }
0x97: {  	s18 =	sld [smem:$0x3FDB];
	_ =	sdelay $0x1  }
0x98: {  	s4 =	simm.s32 $_scs_section_size  }
0x99: {  	s5 =	simm.s32 $_size__tile_overlayer_lowered;
	s6 =	simm.s32 $_tile_overlayer_lowered  }
0x9a: {  	s21 =	simm.s32 $0x1BFF;
	s20 =	sshll.u32 s6, $0x1;
	s3 =	sadd.s32 s4, s18  }
0x9b: {  	s7 =	simm.s32 $0x0;
	s19 =	sshll.u32 s5, $0x1;
	s5 =	sadd.s32 s20, s3  }
0x9c: {  	[timem:s7], [sflag:s21] =	dma.local [hbm:s5], s19  }
0x9d: {  	_ =	swait.ge [sflag:s21], s19  }
0x9e: {  	s4 =	ssub.s32 $0x0, s19;
	[sflag:s21] =	ssyncset.done $0x0  }
0x9f: {  	[sflag:s21] =	ssyncadd.s32 s4;
	_ =	sdelay $0x1  }
0xa0: {  	s22 =	simm.s32 $0x1B8B  }
0xa1: {  	_ =	swait.ge [sflag:s22], $0x1  }
0xa2: {  	[sflag:s22] =	ssyncset.done $0x0  }
0xa3: {  	s23 =	simm.s32 $0x1B8E;
	[sflag:s22] =	ssyncadd.s32 $0xFFFFFFFF  }
0xa4: {  	s24 =	simm.s32 $execute0_lowered;
	[smem:$0x3FD2] =	sst s23  }
0xa5: {  	s4 =	sshll.u32 s24, $0x1;
	_ =	strace $0x80000046;
	[dreg:$0x1] =	wrdreg $0xFFFFFFFF  }
0xa6: {  	s25 =	simm.s32 $_size_execute0_lowered;
	s3 =	sadd.s32 s3, s4;
	[dreg:$0x0] =	wrdreg $0x0  }
0xa7: {  	s4 =	sshll.u32 s25, $0x1;
	[dreg:$0x2] =	wrdreg s3  }
0xa8: {  	[dreg:$0x3] =	wrdreg s4  }
0xa9: {  	[dreg:$0x4] =	wrdreg $0xC0  }
0xaa: {  	_ =	task [dreg:s7], $0x5FFFF  }
0xab: {  	[dreg:$0x1] =	wrdreg $0xFFFFFFFF  }
0xac: {  	[dreg:$0x0] =	wrdreg $0x60  }
0xad: {  	[dreg:$0x2] =	wrdreg s17  }
0xae: {  	[dreg:$0x3] =	wrdreg s0  }
0xaf: {  	[dreg:$0x4] =	wrdreg s2  }
0xb0: {  	[dreg:$0x5] =	wrdreg $0x9  }
0xb1: {  	_ =	task.clear_ibuf [dreg:s7], $0x6FFFF;
	_ =	strace $0x90000046  }
0xb2: {  	s26 =	simm.s32 $0x9;
	_ =	strace $0x80000048  }
0xb3: {  	_ =	swait.ge [sflag:s26], $0x1  }
0xb4: {  	[sflag:s26] =	ssyncadd.s32 $0xFFFFFFFF  }
0xb5: {  	_ =	strace $0x90000048  }
0xb6: {  	_ =	sfence  }
0xb7: {  	s28 =	sld [smem:$0x0];
	_ =	sdelay $0x1  }
0xb8: {  	s29 =	srdreg.scid  }
0xb9: {  	s30 =	sshll.u32 s29, $0xD;
	s31 =	sshrl.u32 s29, $0x2  }
0xba: {  	s1 =	sand.u32 $0x1, s29;
	s2 =	sand.u32 $0x4000, s30;
	s0 =	sadd.s32 s31, s28  }
0xbb: {  	s1 =	sor.u32 s2, s1;
	s0 =	sshll.u32 s0, $0x11  }
0xbc: {  	s0 =	sor.u32 s0, s1  }
0xbd: {  	s0 =	sadd.s32 $0x8F2B, s0  }
0xbe: {  	[sflag:s0] =	ssyncadd.remote.s32 $0x1  }
0xbf: {  	_ =	sfence.sel $0xFFFF  }
0xc0: {  	[dreg:$0x0] =	wrdreg $0xFFFFFFFF;
	(pc) =	sbr.abs _section_cstart, $3  }
0xc1: {  	[dreg:$0x1] =	wrdreg $0xFFFFFFFF  }
0xc2: {  	_ =	task.clear_ibuf [dreg:s7], $0x2FFFF;
	_ =	strace $0x9FFFFFFF  }
0xc3: {  	(tm) =	ssettm $0x7FFFFFFF  }
tec
execute0_lowered:
.L_overlay_start_1:
0x0: {  	(tag) =	ssettag $0x1  }
0x1: {  	s0 =	rddreg [dreg:$0x0]  }
0x2: {  	s1 =	rddreg [dreg:$0x1]  }
0x3: {  	s2 =	rddreg [dreg:$0x2]  }
0x4: {  	s3 =	rddreg [dreg:$0x3];
	s4 =	stileid.u32  }
0x5: {  	s5 =	simm.s32 $0x0;
	s6 =	sshrl.u32 s4, $0x3;
	s7 =	sand.u32 $0x7, s4  }
0x6: {  	[smem:$0x7FF] =	sst s5;
	s8 =	sshll.u32 s6, $0x4;
	s1 =	sadd.s32 s1, s7  }
0x7: {  	s29 =	simm.s32 $0x2;
	_ =	strace $0x80000047;
	s1 =	sadd.s32 s8, s1  }
0x8: {  	[tilespmem:s5], [sflag:$0x2] =	stream.linear.gather [hbm4b:s1+s5], $0x8, $0x38;
	[tilespmem:$0x480] =	vst v63  }
0x9: {  	_ =	swait.ge [sflag:s29], $0x8  }
0xa: {  	s30 =	simm.s32 $0x8;
	[sflag:s29] =	ssyncset.done $0x0  }
0xb: {  	s9 =	simm.s32 $0x80;
	s31 =	simm.s32 $0x1;
	[sflag:s29] =	ssyncadd.s32 $0xFFFFFFF8  }
0xc: {  	[tilespmem:s9], [sflag:$0x1] =	stream.indirect.gather [hbm4b:s0+s30], $0x80, s5, s30, $0xb8;
	[tilespmem:$0x480] =	vst v63  }
0xd: {  	s7 =	sshll.u32 s7, $0x7;
	_ =	swait.ge [sflag:s31], $0x400  }
0xe: {  	s6 =	sshll.u32 s6, $0xA;
	s2 =	sadd.s32 s2, s7;
	[sflag:s31] =	ssyncset.done $0x0  }
0xf: {  	s2 =	sadd.s32 s6, s2;
	[sflag:s31] =	ssyncadd.s32 $0xFFFFFC00  }
0x10: {  	[hbm4b:s2+s5] =	stream.linear.scatter [tilespmem:s9], [sflag:$0x2], $0x400, $0x38;
	[tilespmem:$0x480] =	vst v63  }
0x11: {  	_ =	swait.ge [sflag:s29], $0x400  }
0x12: {  	[sflag:s29] =	ssyncset.done $0x0  }
0x13: {  	[sflag:s29] =	ssyncadd.s32 $0xFFFFFC00  }
0x14: {  	_ =	sfence.sel $0x180000  }
0x15: {  	[bflag:$0x0] =	sbarrier.arrive $0xFFFF  }
0x16: {  	p0 =	sne.s32 s4, $0x0;
	_ =	strace $0x90000047  }
0x17: {  	s0 =	sadd.s32 @!p0 $0x100000, s3;
	[bflag:$0x2] =	sbarrier.arrive $0xFFFF  }
0x18: {  	[sflag:s0] =	ssyncadd.tile.s32 @!p0 $0x1;
	_ =	shalt  }
.Lfunc_end2:
_tile_overlayer_lowered:
.L_overlay_start_2:
0x19: {  	(tag) =	ssettag $0x2  }
0x1a: {  	s0 =	rddreg [dreg:$0x0];
	s2 =	stileid.u32  }
0x1b: {  	s1 =	rddreg [dreg:$0x1];
	p0 =	sne.s32 s2, $0x0  }
0x1c: {  	s3 =	rddreg [dreg:$0x2];
	[bflag:$0x3] =	sbarrier.arrive $0xFFFF;
	s2 =	simm.s32 @!p0 $0x1C02  }
0x1d: {  	[timem:s3], [sflag:s2] =	dma.local @!p0 [hbm:s0], s1  }
0x1e: {  	s0 =	simm.s32 @!p0 $0x2  }
0x1f: {  	_ =	swait.ge @!p0 [sflag:s0], s1  }
0x20: {  	s1 =	ssub.s32 @!p0 $0x0, s1;
	[sflag:s0] =	ssyncset.done @!p0 $0x0  }
0x21: {  	[sflag:s0] =	ssyncadd.s32 @!p0 s1  }
0x22: {  	[bflag:$0x3] =	sbarrier.arrive $0xFFFF  }
0x23: {  	_ =	shalt  }

</sc_bundles>
